<compile_context>
chip_gen: v7x
topology: tpu7x:2x2x1
jax: 0.10.2.dev20260603
libtpu: 0.0.44.dev20260713+nightly
codegen_flags: <defaults>
</compile_context>

<pallas_src>
import functools

import jax
import jax.numpy as jnp
from jax import lax
from jax.experimental import pallas as pl
from jax.experimental.pallas import tpu as pltpu
from jax.experimental.pallas import tpu_sc as plsc

L = 16
NC = 2
NS = 16
NW = NC * NS


def _make_mark(n_nodes: int, n_edges: int):
    BLK = 128
    CHUNK = 10240
    NBUF = 2
    assert n_edges % BLK == 0 and CHUNK % BLK == 0 and CHUNK % L == 0
    total_chunks = n_edges // CHUNK
    rounds = (total_chunks // NW) // NBUF * NBUF
    n_tail_rounds = -(-(total_chunks - rounds * NW) // NW)
    n_outer = rounds // NBUF
    assert n_nodes % L == 0
    mesh = plsc.VectorSubcoreMesh(
        core_axis_name="c", subcore_axis_name="s",
        num_cores=NC, num_subcores=NS)

    @functools.partial(
        pl.kernel,
        out_type=jax.ShapeDtypeStruct((NW, n_nodes), jnp.int32),
        mesh=mesh,
        compiler_params=pltpu.CompilerParams(needs_layout_passes=False),
        scratch_types=[
            pltpu.VMEM((n_nodes,), jnp.int32),
        ] + [pltpu.VMEM((1, CHUNK), jnp.int32)] * NBUF
          + [pltpu.SemaphoreType.DMA] * NBUF,
    )
    def mark(edge_index, marker_out, marker_v, *bufs_and_sems):
        idx_v = bufs_and_sems[:NBUF]
        sems = bufs_and_sems[NBUF:]
        c = lax.axis_index("c")
        s = lax.axis_index("s")
        wid = s * NC + c
        zeros = jnp.zeros((L,), jnp.int32)
        ones = jnp.ones((L,), jnp.int32)

        def start(r, b):
            col0 = (r * NW + wid) * CHUNK
            pltpu.async_copy(
                edge_index.at[pl.ds(0, 1), pl.ds(col0, CHUNK)], idx_v[b],
                sems[b])

        def wait(r, b):
            col0 = (r * NW + wid) * CHUNK
            pltpu.make_async_copy(
                edge_index.at[pl.ds(0, 1), pl.ds(col0, CHUNK)], idx_v[b],
                sems[b]).wait()

        def scatter(b):
            buf = idx_v[b]

            @plsc.parallel_loop(0, CHUNK, step=L, unroll=8)
            def _scatter(j):
                idx = buf[0, pl.ds(j, L)]
                plsc.store_scatter(marker_v, [idx], ones)

        for b in range(NBUF):
            start(b, b)

        @plsc.parallel_loop(0, n_nodes, step=L, unroll=8)
        def _zero(i):
            marker_v[pl.ds(i, L)] = zeros

        def outer(oi, carry):
            for b in range(NBUF):
                r = oi * NBUF + b
                wait(r, b)
                scatter(b)

                @pl.when(oi < n_outer - 1)
                def _start_next():
                    start(r + NBUF, b)
            return carry
        lax.fori_loop(0, n_outer, outer, 0)

        for tr in range(n_tail_rounds):
            ci = (rounds + tr) * NW + wid

            @pl.when(ci < total_chunks)
            def _tail(ci=ci):
                col0 = ci * CHUNK
                pltpu.sync_copy(
                    edge_index.at[pl.ds(0, 1), pl.ds(col0, CHUNK)], idx_v[0])
                scatter(0)

        pltpu.sync_copy(marker_v, marker_out.at[wid])

    return mark


def _combine_body(marker_ref, energy_ref, species_ref, std_ref, bias_ref,
                  out_ref):
    num_types = std_ref.shape[0]
    m = jnp.max(marker_ref[...], axis=0) > 0
    species = species_ref[...]
    energy = energy_ref[...]
    scale = jnp.zeros(energy.shape, jnp.float32)
    off = jnp.zeros(energy.shape, jnp.float32)
    for t in range(num_types):
        sel = species == t
        scale = jnp.where(sel, std_ref[t, 0], scale)
        off = jnp.where(sel, bias_ref[t, 0], off)
    out_ref[...] = jnp.where(m, energy * scale + off, energy)


@jax.jit
def kernel(node_energy, edge_index, node_type, per_type_std, per_type_bias):
    n_nodes = node_energy.shape[0]
    n_edges = edge_index.shape[1]

    marker = _make_mark(n_nodes, n_edges)(edge_index)

    out = pl.pallas_call(
        _combine_body,
        out_shape=jax.ShapeDtypeStruct((n_nodes,), jnp.float32),
        in_specs=[
            pl.BlockSpec(memory_space=pltpu.VMEM),
            pl.BlockSpec(memory_space=pltpu.VMEM),
            pl.BlockSpec(memory_space=pltpu.VMEM),
            pl.BlockSpec(memory_space=pltpu.SMEM),
            pl.BlockSpec(memory_space=pltpu.SMEM),
        ],
        out_specs=pl.BlockSpec(memory_space=pltpu.VMEM),
    )(marker, node_energy[:, 0], node_type[:, 0], per_type_std, per_type_bias)
    return out[:, None]

# --- scband reference (transcript-rebuilt; emitter-appended) ---
"""Pipeline reference for scband-per-type-scale-module-61357902790990 (READ-ONLY COPY).

The authoritative reference and input builder live on the scoring server;
editing this copy changes nothing except your own understanding.
"""

import jax, jax.numpy as jnp
import numpy as np

NUM_TYPES = 16
N_NODES = 100000
N_EDGES = 6400000


def setup_inputs(seed: int = 0) -> dict:
    key = jax.random.key(seed)
    k1, k2, k3, k4, k5 = jax.random.split(key, 5)
    node_energy = jax.random.normal(k1, (N_NODES, 1), dtype=jnp.float32)
    edge_index = jax.random.randint(k2, (2, N_EDGES), 0, N_NODES, dtype=jnp.int32)
    node_type = jax.random.randint(k3, (N_NODES, 1), 0, NUM_TYPES, dtype=jnp.int32)
    # learned per-type parameters, shape (num_types, 1) as in the torch module
    per_type_std = jax.random.uniform(k4, (NUM_TYPES, 1), dtype=jnp.float32, minval=0.75, maxval=1.25)
    per_type_bias = 0.1 * jax.random.normal(k5, (NUM_TYPES, 1), dtype=jnp.float32)
    return {
        "node_energy": node_energy,
        "edge_index": edge_index,
        "node_type": node_type,
        "per_type_std": per_type_std,
        "per_type_bias": per_type_bias,
    }


def reference(node_energy, edge_index, node_type, per_type_std, per_type_bias):
    # self.func is treated as identity (it just passes the data dict through).
    # edge_center = torch.unique(edge_index[0])
    n_nodes = node_energy.shape[0]
    is_center = jnp.zeros((n_nodes,), dtype=jnp.bool_).at[edge_index[0]].set(True)
    # center_species = node_type[edge_center].squeeze(-1)
    species = node_type.squeeze(-1)
    nf = node_energy
    # node_features[edge_center] *= per_type_std[center_species]
    # node_features[edge_center] += per_type_bias[center_species]
    updated = nf * per_type_std[species] + per_type_bias[species]
    nf = jnp.where(is_center[:, None], updated, nf)
    # data[out_field] = node_features
    return nf

if __name__ == "__main__":
    import jax
    _d = setup_inputs()
    print(jax.jit(kernel)(*tuple(_d.values())))

</pallas_src>

<mosaic_0001>
#map = affine_map<(d0, d1) -> (0, 0)>
module attributes {stable_mosaic.version = 14 : i64} {
  func.func @mark(%arg0: i32, %arg1: i32, %arg2: memref<2x6400000xi32, #tpu.memory_space<hbm>>, %arg3: memref<32x100000xi32, #tpu.memory_space<hbm>>, %arg4: memref<100000xi32, #tpu.memory_space<vmem>>, %arg5: memref<1x10240xi32, #tpu.memory_space<vmem>>, %arg6: memref<1x10240xi32, #tpu.memory_space<vmem>>, %arg7: memref<!tpu.dma_semaphore, #tpu.memory_space<semaphore_mem>>, %arg8: memref<!tpu.dma_semaphore, #tpu.memory_space<semaphore_mem>>) attributes {dimension_semantics = [#tpu.dimension_semantics<core_parallel>, #tpu.dimension_semantics<subcore_parallel>], iteration_bounds = array<i64: 2, 16>, scalar_prefetch = 0 : i64, scratch_operands = 5 : i64, tpu.core_type = #tpu.core_type<sc_vector_subcore>, window_params = [{transform_indices = #map}, {transform_indices = #map}]} {
    %mul3A = arith.constant 2 : i32
    %mul3A_0 = arith.muli %arg1, %mul3A : i32
    %add3A = arith.addi %mul3A_0, %arg0 : i32
    %broadcast_in_dim3A = arith.constant 0 : i32
    %broadcast_in_dim3A_1 = vector.broadcast %broadcast_in_dim3A : i32 to vector<16xi32>
    %broadcast_in_dim3A_2 = arith.constant 1 : i32
    %broadcast_in_dim3A_3 = vector.broadcast %broadcast_in_dim3A_2 : i32 to vector<16xi32>
    %add3A_4 = arith.constant 0 : i32
    %add3A_5 = arith.addi %add3A_4, %add3A : i32
    %mul3A_6 = arith.constant 10240 : i32
    %mul3A_7 = arith.muli %add3A_5, %mul3A_6 : i32
    %dma_start3A = arith.constant 0 : i32
    %dma_start3A_8 = tpu.memref_slice %arg2[%dma_start3A, %mul3A_7] : memref<2x6400000xi32, #tpu.memory_space<hbm>> -> memref<1x10240xi32, #tpu.memory_space<hbm>>
    %dma_start3A_9 = arith.constant 0 : i32
    %dma_start3A_10 = tpu.memref_slice %arg2[%dma_start3A_9, %mul3A_7] : memref<2x6400000xi32, #tpu.memory_space<hbm>> -> memref<1x10240xi32, #tpu.memory_space<hbm>>
    tpu.enqueue_dma source(%dma_start3A_10 : memref<1x10240xi32, #tpu.memory_space<hbm>>) target(%arg5 : memref<1x10240xi32, #tpu.memory_space<vmem>>) target_semaphore(%arg7 : memref<!tpu.dma_semaphore, #tpu.memory_space<semaphore_mem>>)
    %add3A_11 = arith.constant 32 : i32
    %add3A_12 = arith.addi %add3A_11, %add3A : i32
    %mul3A_13 = arith.constant 10240 : i32
    %mul3A_14 = arith.muli %add3A_12, %mul3A_13 : i32
    %dma_start3A_15 = arith.constant 0 : i32
    %dma_start3A_16 = tpu.memref_slice %arg2[%dma_start3A_15, %mul3A_14] : memref<2x6400000xi32, #tpu.memory_space<hbm>> -> memref<1x10240xi32, #tpu.memory_space<hbm>>
    %dma_start3A_17 = arith.constant 0 : i32
    %dma_start3A_18 = tpu.memref_slice %arg2[%dma_start3A_17, %mul3A_14] : memref<2x6400000xi32, #tpu.memory_space<hbm>> -> memref<1x10240xi32, #tpu.memory_space<hbm>>
    tpu.enqueue_dma source(%dma_start3A_18 : memref<1x10240xi32, #tpu.memory_space<hbm>>) target(%arg6 : memref<1x10240xi32, #tpu.memory_space<vmem>>) target_semaphore(%arg8 : memref<!tpu.dma_semaphore, #tpu.memory_space<semaphore_mem>>)
    %parallel_loop3A = arith.constant 0 : i32
    %parallel_loop3A_19 = arith.constant 100000 : i32
    %parallel_loop3A_20 = arith.constant 16 : i32
    scf.for %parallel_loop3A_37 = %parallel_loop3A to %parallel_loop3A_19 step %parallel_loop3A_20  : i32 {
      %parallel_loop3A_38 = arith.index_cast %parallel_loop3A_37 : i32 to index
      %parallel_loop3A_39 = tpu.vector_load %arg4[%parallel_loop3A_38] {strides = array<i32>} : memref<100000xi32, #tpu.memory_space<vmem>>, vector<16xi32>,
      tpu.vector_store %arg4[%parallel_loop3A_38], %broadcast_in_dim3A_1 {strides = array<i32>} : memref<100000xi32, #tpu.memory_space<vmem>>, vector<16xi32>,
    } {sc.loop_unroll_factor = 8 : i64, sc.parallel_access}
    %scan3A = arith.constant 0 : i32
    %scan3A_21 = arith.constant 0 : i32
    %scan3A_22 = arith.constant 9 : i32
    %scan3A_23 = arith.addi %scan3A_21, %scan3A_22 : i32
    %scan3A_24 = arith.constant 1 : i32
    scf.for %scan3A_37 = %scan3A_21 to %scan3A_23 step %scan3A_24  : i32 {
      %mul3A_38 = arith.constant 2 : i32
      %mul3A_39 = arith.muli %scan3A_37, %mul3A_38 : i32
      %add3A_40 = arith.constant 0 : i32
      %add3A_41 = arith.addi %mul3A_39, %add3A_40 : i32
      %mul3A_42 = arith.constant 32 : i32
      %mul3A_43 = arith.muli %add3A_41, %mul3A_42 : i32
      %add3A_44 = arith.addi %mul3A_43, %add3A : i32
      %mul3A_45 = arith.constant 10240 : i32
      %mul3A_46 = arith.muli %add3A_44, %mul3A_45 : i32
      %dma_wait3A = arith.constant 0 : i32
      %dma_wait3A_47 = tpu.memref_slice %arg2[%dma_wait3A, %mul3A_46] : memref<2x6400000xi32, #tpu.memory_space<hbm>> -> memref<1x10240xi32, #tpu.memory_space<hbm>>
      %dma_wait3A_48 = arith.constant 0 : i32
      %dma_wait3A_49 = tpu.memref_slice %arg2[%dma_wait3A_48, %mul3A_46] : memref<2x6400000xi32, #tpu.memory_space<hbm>> -> memref<1x10240xi32, #tpu.memory_space<hbm>>
      tpu.wait_dma2 semaphore(%arg7 : memref<!tpu.dma_semaphore, #tpu.memory_space<semaphore_mem>>) src(%dma_wait3A_49 : memref<1x10240xi32, #tpu.memory_space<hbm>>) dst(%arg5 : memref<1x10240xi32, #tpu.memory_space<vmem>>)
      %parallel_loop3A_50 = arith.constant 0 : i32
      %parallel_loop3A_51 = arith.constant 10240 : i32
      %parallel_loop3A_52 = arith.constant 16 : i32
      scf.for %parallel_loop3A_79 = %parallel_loop3A_50 to %parallel_loop3A_51 step %parallel_loop3A_52  : i32 {
        %parallel_loop3A_80 = arith.constant 0 : i32
        %parallel_loop3A_81 = arith.index_cast %parallel_loop3A_80 : i32 to index
        %parallel_loop3A_82 = arith.index_cast %parallel_loop3A_79 : i32 to index
        %parallel_loop3A_83 = tpu.vector_load %arg5[%parallel_loop3A_81, %parallel_loop3A_82] {strides = array<i32>} : memref<1x10240xi32, #tpu.memory_space<vmem>>, vector<16xi32>,
        tpu.vector_store_idx %arg4[%parallel_loop3A_83], %broadcast_in_dim3A_3 : memref<100000xi32, #tpu.memory_space<vmem>>[vector<16xi32>], vector<16xi32>,
      } {sc.loop_unroll_factor = 8 : i64, sc.parallel_access}
      %lt3A_53 = arith.constant 8 : i32
      %lt3A_54 = arith.cmpi slt, %scan3A_37, %lt3A_53 : i32
      %convert_element_type3A_55 = arith.extui %lt3A_54 : i1 to i32
      %cond3A_56 = arith.constant 0 : i32
      %cond3A_57 = arith.cmpi ne, %convert_element_type3A_55, %cond3A_56 : i32
      scf.if %cond3A_57 {
        %add3A_79 = arith.constant 2 : i32
        %add3A_80 = arith.addi %add3A_41, %add3A_79 : i32
        %mul3A_81 = arith.constant 32 : i32
        %mul3A_82 = arith.muli %add3A_80, %mul3A_81 : i32
        %add3A_83 = arith.addi %mul3A_82, %add3A : i32
        %mul3A_84 = arith.constant 10240 : i32
        %mul3A_85 = arith.muli %add3A_83, %mul3A_84 : i32
        %dma_start3A_86 = arith.constant 0 : i32
        %dma_start3A_87 = tpu.memref_slice %arg2[%dma_start3A_86, %mul3A_85] : memref<2x6400000xi32, #tpu.memory_space<hbm>> -> memref<1x10240xi32, #tpu.memory_space<hbm>>
        %dma_start3A_88 = arith.constant 0 : i32
        %dma_start3A_89 = tpu.memref_slice %arg2[%dma_start3A_88, %mul3A_85] : memref<2x6400000xi32, #tpu.memory_space<hbm>> -> memref<1x10240xi32, #tpu.memory_space<hbm>>
        tpu.enqueue_dma source(%dma_start3A_89 : memref<1x10240xi32, #tpu.memory_space<hbm>>) target(%arg5 : memref<1x10240xi32, #tpu.memory_space<vmem>>) target_semaphore(%arg7 : memref<!tpu.dma_semaphore, #tpu.memory_space<semaphore_mem>>)
      } else {
      }
      %mul3A_58 = arith.constant 2 : i32
      %mul3A_59 = arith.muli %scan3A_37, %mul3A_58 : i32
      %add3A_60 = arith.constant 1 : i32
      %add3A_61 = arith.addi %mul3A_59, %add3A_60 : i32
      %mul3A_62 = arith.constant 32 : i32
      %mul3A_63 = arith.muli %add3A_61, %mul3A_62 : i32
      %add3A_64 = arith.addi %mul3A_63, %add3A : i32
      %mul3A_65 = arith.constant 10240 : i32
      %mul3A_66 = arith.muli %add3A_64, %mul3A_65 : i32
      %dma_wait3A_67 = arith.constant 0 : i32
      %dma_wait3A_68 = tpu.memref_slice %arg2[%dma_wait3A_67, %mul3A_66] : memref<2x6400000xi32, #tpu.memory_space<hbm>> -> memref<1x10240xi32, #tpu.memory_space<hbm>>
      %dma_wait3A_69 = arith.constant 0 : i32
      %dma_wait3A_70 = tpu.memref_slice %arg2[%dma_wait3A_69, %mul3A_66] : memref<2x6400000xi32, #tpu.memory_space<hbm>> -> memref<1x10240xi32, #tpu.memory_space<hbm>>
      tpu.wait_dma2 semaphore(%arg8 : memref<!tpu.dma_semaphore, #tpu.memory_space<semaphore_mem>>) src(%dma_wait3A_70 : memref<1x10240xi32, #tpu.memory_space<hbm>>) dst(%arg6 : memref<1x10240xi32, #tpu.memory_space<vmem>>)
      %parallel_loop3A_71 = arith.constant 0 : i32
      %parallel_loop3A_72 = arith.constant 10240 : i32
      %parallel_loop3A_73 = arith.constant 16 : i32
      scf.for %parallel_loop3A_79 = %parallel_loop3A_71 to %parallel_loop3A_72 step %parallel_loop3A_73  : i32 {
        %parallel_loop3A_80 = arith.constant 0 : i32
        %parallel_loop3A_81 = arith.index_cast %parallel_loop3A_80 : i32 to index
        %parallel_loop3A_82 = arith.index_cast %parallel_loop3A_79 : i32 to index
        %parallel_loop3A_83 = tpu.vector_load %arg6[%parallel_loop3A_81, %parallel_loop3A_82] {strides = array<i32>} : memref<1x10240xi32, #tpu.memory_space<vmem>>, vector<16xi32>,
        tpu.vector_store_idx %arg4[%parallel_loop3A_83], %broadcast_in_dim3A_3 : memref<100000xi32, #tpu.memory_space<vmem>>[vector<16xi32>], vector<16xi32>,
      } {sc.loop_unroll_factor = 8 : i64, sc.parallel_access}
      %lt3A_74 = arith.constant 8 : i32
      %lt3A_75 = arith.cmpi slt, %scan3A_37, %lt3A_74 : i32
      %convert_element_type3A_76 = arith.extui %lt3A_75 : i1 to i32
      %cond3A_77 = arith.constant 0 : i32
      %cond3A_78 = arith.cmpi ne, %convert_element_type3A_76, %cond3A_77 : i32
      scf.if %cond3A_78 {
        %add3A_79 = arith.constant 2 : i32
        %add3A_80 = arith.addi %add3A_61, %add3A_79 : i32
        %mul3A_81 = arith.constant 32 : i32
        %mul3A_82 = arith.muli %add3A_80, %mul3A_81 : i32
        %add3A_83 = arith.addi %mul3A_82, %add3A : i32
        %mul3A_84 = arith.constant 10240 : i32
        %mul3A_85 = arith.muli %add3A_83, %mul3A_84 : i32
        %dma_start3A_86 = arith.constant 0 : i32
        %dma_start3A_87 = tpu.memref_slice %arg2[%dma_start3A_86, %mul3A_85] : memref<2x6400000xi32, #tpu.memory_space<hbm>> -> memref<1x10240xi32, #tpu.memory_space<hbm>>
        %dma_start3A_88 = arith.constant 0 : i32
        %dma_start3A_89 = tpu.memref_slice %arg2[%dma_start3A_88, %mul3A_85] : memref<2x6400000xi32, #tpu.memory_space<hbm>> -> memref<1x10240xi32, #tpu.memory_space<hbm>>
        tpu.enqueue_dma source(%dma_start3A_89 : memref<1x10240xi32, #tpu.memory_space<hbm>>) target(%arg6 : memref<1x10240xi32, #tpu.memory_space<vmem>>) target_semaphore(%arg8 : memref<!tpu.dma_semaphore, #tpu.memory_space<semaphore_mem>>)
      } else {
      }
    }
    %scan3A_25 = arith.constant 9 : i32
    %add3A_26 = arith.constant 576 : i32
    %add3A_27 = arith.addi %add3A_26, %add3A : i32
    %lt3A = arith.constant 625 : i32
    %lt3A_28 = arith.cmpi slt, %add3A_27, %lt3A : i32
    %convert_element_type3A = arith.extui %lt3A_28 : i1 to i32
    %cond3A = arith.constant 0 : i32
    %cond3A_29 = arith.cmpi ne, %convert_element_type3A, %cond3A : i32
    scf.if %cond3A_29 {
      %mul3A_37 = arith.constant 10240 : i32
      %mul3A_38 = arith.muli %add3A_27, %mul3A_37 : i32
      "tpu.region"() ({
        %run_scoped3A = tpu.sem_alloc : memref<!tpu.dma_semaphore, #tpu.memory_space<semaphore_mem>>
        %dma_start3A_42 = arith.constant 0 : i32
        %dma_start3A_43 = tpu.memref_slice %arg2[%dma_start3A_42, %mul3A_38] : memref<2x6400000xi32, #tpu.memory_space<hbm>> -> memref<1x10240xi32, #tpu.memory_space<hbm>>
        %dma_start3A_44 = arith.constant 0 : i32
        %dma_start3A_45 = tpu.memref_slice %arg2[%dma_start3A_44, %mul3A_38] : memref<2x6400000xi32, #tpu.memory_space<hbm>> -> memref<1x10240xi32, #tpu.memory_space<hbm>>
        tpu.enqueue_dma source(%dma_start3A_45 : memref<1x10240xi32, #tpu.memory_space<hbm>>) target(%arg5 : memref<1x10240xi32, #tpu.memory_space<vmem>>) target_semaphore(%run_scoped3A : memref<!tpu.dma_semaphore, #tpu.memory_space<semaphore_mem>>)
        %dma_wait3A = arith.constant 0 : i32
        %dma_wait3A_46 = tpu.memref_slice %arg2[%dma_wait3A, %mul3A_38] : memref<2x6400000xi32, #tpu.memory_space<hbm>> -> memref<1x10240xi32, #tpu.memory_space<hbm>>
        %dma_wait3A_47 = arith.constant 0 : i32
        %dma_wait3A_48 = tpu.memref_slice %arg2[%dma_wait3A_47, %mul3A_38] : memref<2x6400000xi32, #tpu.memory_space<hbm>> -> memref<1x10240xi32, #tpu.memory_space<hbm>>
        tpu.wait_dma2 semaphore(%run_scoped3A : memref<!tpu.dma_semaphore, #tpu.memory_space<semaphore_mem>>) src(%dma_wait3A_48 : memref<1x10240xi32, #tpu.memory_space<hbm>>) dst(%arg5 : memref<1x10240xi32, #tpu.memory_space<vmem>>)
        tpu.yield
      }) : () -> ()
      %parallel_loop3A_39 = arith.constant 0 : i32
      %parallel_loop3A_40 = arith.constant 10240 : i32
      %parallel_loop3A_41 = arith.constant 16 : i32
      scf.for %parallel_loop3A_42 = %parallel_loop3A_39 to %parallel_loop3A_40 step %parallel_loop3A_41  : i32 {
        %parallel_loop3A_43 = arith.constant 0 : i32
        %parallel_loop3A_44 = arith.index_cast %parallel_loop3A_43 : i32 to index
        %parallel_loop3A_45 = arith.index_cast %parallel_loop3A_42 : i32 to index
        %parallel_loop3A_46 = tpu.vector_load %arg5[%parallel_loop3A_44, %parallel_loop3A_45] {strides = array<i32>} : memref<1x10240xi32, #tpu.memory_space<vmem>>, vector<16xi32>,
        tpu.vector_store_idx %arg4[%parallel_loop3A_46], %broadcast_in_dim3A_3 : memref<100000xi32, #tpu.memory_space<vmem>>[vector<16xi32>], vector<16xi32>,
      } {sc.loop_unroll_factor = 8 : i64, sc.parallel_access}
    } else {
    }
    %add3A_30 = arith.constant 608 : i32
    %add3A_31 = arith.addi %add3A_30, %add3A : i32
    %lt3A_32 = arith.constant 625 : i32
    %lt3A_33 = arith.cmpi slt, %add3A_31, %lt3A_32 : i32
    %convert_element_type3A_34 = arith.extui %lt3A_33 : i1 to i32
    %cond3A_35 = arith.constant 0 : i32
    %cond3A_36 = arith.cmpi ne, %convert_element_type3A_34, %cond3A_35 : i32
    scf.if %cond3A_36 {
      %mul3A_37 = arith.constant 10240 : i32
      %mul3A_38 = arith.muli %add3A_31, %mul3A_37 : i32
      "tpu.region"() ({
        %run_scoped3A = tpu.sem_alloc : memref<!tpu.dma_semaphore, #tpu.memory_space<semaphore_mem>>
        %dma_start3A_42 = arith.constant 0 : i32
        %dma_start3A_43 = tpu.memref_slice %arg2[%dma_start3A_42, %mul3A_38] : memref<2x6400000xi32, #tpu.memory_space<hbm>> -> memref<1x10240xi32, #tpu.memory_space<hbm>>
        %dma_start3A_44 = arith.constant 0 : i32
        %dma_start3A_45 = tpu.memref_slice %arg2[%dma_start3A_44, %mul3A_38] : memref<2x6400000xi32, #tpu.memory_space<hbm>> -> memref<1x10240xi32, #tpu.memory_space<hbm>>
        tpu.enqueue_dma source(%dma_start3A_45 : memref<1x10240xi32, #tpu.memory_space<hbm>>) target(%arg5 : memref<1x10240xi32, #tpu.memory_space<vmem>>) target_semaphore(%run_scoped3A : memref<!tpu.dma_semaphore, #tpu.memory_space<semaphore_mem>>)
        %dma_wait3A = arith.constant 0 : i32
        %dma_wait3A_46 = tpu.memref_slice %arg2[%dma_wait3A, %mul3A_38] : memref<2x6400000xi32, #tpu.memory_space<hbm>> -> memref<1x10240xi32, #tpu.memory_space<hbm>>
        %dma_wait3A_47 = arith.constant 0 : i32
        %dma_wait3A_48 = tpu.memref_slice %arg2[%dma_wait3A_47, %mul3A_38] : memref<2x6400000xi32, #tpu.memory_space<hbm>> -> memref<1x10240xi32, #tpu.memory_space<hbm>>
        tpu.wait_dma2 semaphore(%run_scoped3A : memref<!tpu.dma_semaphore, #tpu.memory_space<semaphore_mem>>) src(%dma_wait3A_48 : memref<1x10240xi32, #tpu.memory_space<hbm>>) dst(%arg5 : memref<1x10240xi32, #tpu.memory_space<vmem>>)
        tpu.yield
      }) : () -> ()
      %parallel_loop3A_39 = arith.constant 0 : i32
      %parallel_loop3A_40 = arith.constant 10240 : i32
      %parallel_loop3A_41 = arith.constant 16 : i32
      scf.for %parallel_loop3A_42 = %parallel_loop3A_39 to %parallel_loop3A_40 step %parallel_loop3A_41  : i32 {
        %parallel_loop3A_43 = arith.constant 0 : i32
        %parallel_loop3A_44 = arith.index_cast %parallel_loop3A_43 : i32 to index
        %parallel_loop3A_45 = arith.index_cast %parallel_loop3A_42 : i32 to index
        %parallel_loop3A_46 = tpu.vector_load %arg5[%parallel_loop3A_44, %parallel_loop3A_45] {strides = array<i32>} : memref<1x10240xi32, #tpu.memory_space<vmem>>, vector<16xi32>,
        tpu.vector_store_idx %arg4[%parallel_loop3A_46], %broadcast_in_dim3A_3 : memref<100000xi32, #tpu.memory_space<vmem>>[vector<16xi32>], vector<16xi32>,
      } {sc.loop_unroll_factor = 8 : i64, sc.parallel_access}
    } else {
    }
    "tpu.region"() ({
      %run_scoped3A = tpu.sem_alloc : memref<!tpu.dma_semaphore, #tpu.memory_space<semaphore_mem>>
      %dma_start3A_37 = arith.constant 0 : i32
      %dma_start3A_38 = tpu.memref_slice %arg3[%add3A, %dma_start3A_37] : memref<32x100000xi32, #tpu.memory_space<hbm>> -> memref<1x100000xi32, #tpu.memory_space<hbm>>
      %dma_start3A_39 = tpu.memref_squeeze %dma_start3A_38 : memref<1x100000xi32, #tpu.memory_space<hbm>> -> memref<100000xi32, #tpu.memory_space<hbm>>
      %dma_start3A_40 = arith.constant 0 : i32
      %dma_start3A_41 = tpu.memref_slice %arg3[%add3A, %dma_start3A_40] : memref<32x100000xi32, #tpu.memory_space<hbm>> -> memref<1x100000xi32, #tpu.memory_space<hbm>>
      %dma_start3A_42 = tpu.memref_squeeze %dma_start3A_41 : memref<1x100000xi32, #tpu.memory_space<hbm>> -> memref<100000xi32, #tpu.memory_space<hbm>>
      tpu.enqueue_dma source(%arg4 : memref<100000xi32, #tpu.memory_space<vmem>>) target(%dma_start3A_42 : memref<100000xi32, #tpu.memory_space<hbm>>) target_semaphore(%run_scoped3A : memref<!tpu.dma_semaphore, #tpu.memory_space<semaphore_mem>>)
      %dma_wait3A = arith.constant 0 : i32
      %dma_wait3A_43 = tpu.memref_slice %arg3[%add3A, %dma_wait3A] : memref<32x100000xi32, #tpu.memory_space<hbm>> -> memref<1x100000xi32, #tpu.memory_space<hbm>>
      %dma_wait3A_44 = tpu.memref_squeeze %dma_wait3A_43 : memref<1x100000xi32, #tpu.memory_space<hbm>> -> memref<100000xi32, #tpu.memory_space<hbm>>
      %dma_wait3A_45 = arith.constant 0 : i32
      %dma_wait3A_46 = tpu.memref_slice %arg3[%add3A, %dma_wait3A_45] : memref<32x100000xi32, #tpu.memory_space<hbm>> -> memref<1x100000xi32, #tpu.memory_space<hbm>>
      %dma_wait3A_47 = tpu.memref_squeeze %dma_wait3A_46 : memref<1x100000xi32, #tpu.memory_space<hbm>> -> memref<100000xi32, #tpu.memory_space<hbm>>
      tpu.wait_dma2 semaphore(%run_scoped3A : memref<!tpu.dma_semaphore, #tpu.memory_space<semaphore_mem>>) src(%arg4 : memref<100000xi32, #tpu.memory_space<vmem>>) dst(%dma_wait3A_47 : memref<100000xi32, #tpu.memory_space<hbm>>)
      tpu.yield
    }) : () -> ()
    return
  }
}

module attributes {stable_mosaic.version = 14 : i64} {
  func.func @_combine_body(%arg0: memref<32x100000xi32, #tpu.memory_space<vmem>>, %arg1: memref<100000xf32, #tpu.memory_space<vmem>>, %arg2: memref<100000xi32, #tpu.memory_space<vmem>>, %arg3: memref<16x1xf32, #tpu.memory_space<smem>>, %arg4: memref<16x1xf32, #tpu.memory_space<smem>>, %arg5: memref<100000xf32, #tpu.memory_space<vmem>>) attributes {dimension_semantics = [], scalar_prefetch = 0 : i64, scratch_operands = 0 : i64, tpu.core_type = #tpu.core_type<tc>} {
    %get3A = arith.constant 0 : index
    %get3A_0 = arith.constant 0 : index
    %get3A_1 = vector.load %arg0[%get3A, %get3A_0] : memref<32x100000xi32, #tpu.memory_space<vmem>>, vector<32x100000xi32>
    %reduce_max3A = arith.constant dense<-2147483648> : vector<100000xi32>
    %reduce_max3A_2 = vector.multi_reduction <maxsi>, %get3A_1, %reduce_max3A [0] : vector<32x100000xi32> to vector<100000xi32>
    %gt3A = arith.constant 0 : i32
    %gt3A_3 = vector.broadcast %gt3A : i32 to vector<100000xi32>
    %gt3A_4 = arith.cmpi sgt, %reduce_max3A_2, %gt3A_3 : vector<100000xi32>
    %get3A_5 = arith.constant 0 : index
    %get3A_6 = vector.load %arg2[%get3A_5] : memref<100000xi32, #tpu.memory_space<vmem>>, vector<100000xi32>
    %get3A_7 = arith.constant 0 : index
    %get3A_8 = vector.load %arg1[%get3A_7] : memref<100000xf32, #tpu.memory_space<vmem>>, vector<100000xf32>
    %broadcast_in_dim3A = arith.constant 0.000000e+00 : f32
    %broadcast_in_dim3A_9 = vector.broadcast %broadcast_in_dim3A : f32 to vector<100000xf32>
    %broadcast_in_dim3A_10 = arith.constant 0.000000e+00 : f32
    %broadcast_in_dim3A_11 = vector.broadcast %broadcast_in_dim3A_10 : f32 to vector<100000xf32>
    %eq3A = arith.constant 0 : i32
    %eq3A_12 = vector.broadcast %eq3A : i32 to vector<100000xi32>
    %eq3A_13 = arith.cmpi eq, %get3A_6, %eq3A_12 : vector<100000xi32>
    %get3A_14 = arith.constant 0 : index
    %get3A_15 = arith.constant 0 : index
    %get3A_16 = memref.load %arg3[%get3A_14, %get3A_15] : memref<16x1xf32, #tpu.memory_space<smem>>
    %broadcast_in_dim3A_17 = vector.broadcast %get3A_16 : f32 to vector<100000xf32>
    %select_n3A = arith.select %eq3A_13, %broadcast_in_dim3A_17, %broadcast_in_dim3A_9 : vector<100000xi1>, vector<100000xf32>
    %get3A_18 = arith.constant 0 : index
    %get3A_19 = arith.constant 0 : index
    %get3A_20 = memref.load %arg4[%get3A_18, %get3A_19] : memref<16x1xf32, #tpu.memory_space<smem>>
    %broadcast_in_dim3A_21 = vector.broadcast %get3A_20 : f32 to vector<100000xf32>
    %select_n3A_22 = arith.select %eq3A_13, %broadcast_in_dim3A_21, %broadcast_in_dim3A_11 : vector<100000xi1>, vector<100000xf32>
    %eq3A_23 = arith.constant 1 : i32
    %eq3A_24 = vector.broadcast %eq3A_23 : i32 to vector<100000xi32>
    %eq3A_25 = arith.cmpi eq, %get3A_6, %eq3A_24 : vector<100000xi32>
    %get3A_26 = arith.constant 1 : index
    %get3A_27 = arith.constant 0 : index
    %get3A_28 = memref.load %arg3[%get3A_26, %get3A_27] : memref<16x1xf32, #tpu.memory_space<smem>>
    %broadcast_in_dim3A_29 = vector.broadcast %get3A_28 : f32 to vector<100000xf32>
    %select_n3A_30 = arith.select %eq3A_25, %broadcast_in_dim3A_29, %select_n3A : vector<100000xi1>, vector<100000xf32>
    %get3A_31 = arith.constant 1 : index
    %get3A_32 = arith.constant 0 : index
    %get3A_33 = memref.load %arg4[%get3A_31, %get3A_32] : memref<16x1xf32, #tpu.memory_space<smem>>
    %broadcast_in_dim3A_34 = vector.broadcast %get3A_33 : f32 to vector<100000xf32>
    %select_n3A_35 = arith.select %eq3A_25, %broadcast_in_dim3A_34, %select_n3A_22 : vector<100000xi1>, vector<100000xf32>
    %eq3A_36 = arith.constant 2 : i32
    %eq3A_37 = vector.broadcast %eq3A_36 : i32 to vector<100000xi32>
    %eq3A_38 = arith.cmpi eq, %get3A_6, %eq3A_37 : vector<100000xi32>
    %get3A_39 = arith.constant 2 : index
    %get3A_40 = arith.constant 0 : index
    %get3A_41 = memref.load %arg3[%get3A_39, %get3A_40] : memref<16x1xf32, #tpu.memory_space<smem>>
    %broadcast_in_dim3A_42 = vector.broadcast %get3A_41 : f32 to vector<100000xf32>
    %select_n3A_43 = arith.select %eq3A_38, %broadcast_in_dim3A_42, %select_n3A_30 : vector<100000xi1>, vector<100000xf32>
    %get3A_44 = arith.constant 2 : index
    %get3A_45 = arith.constant 0 : index
    %get3A_46 = memref.load %arg4[%get3A_44, %get3A_45] : memref<16x1xf32, #tpu.memory_space<smem>>
    %broadcast_in_dim3A_47 = vector.broadcast %get3A_46 : f32 to vector<100000xf32>
    %select_n3A_48 = arith.select %eq3A_38, %broadcast_in_dim3A_47, %select_n3A_35 : vector<100000xi1>, vector<100000xf32>
    %eq3A_49 = arith.constant 3 : i32
    %eq3A_50 = vector.broadcast %eq3A_49 : i32 to vector<100000xi32>
    %eq3A_51 = arith.cmpi eq, %get3A_6, %eq3A_50 : vector<100000xi32>
    %get3A_52 = arith.constant 3 : index
    %get3A_53 = arith.constant 0 : index
    %get3A_54 = memref.load %arg3[%get3A_52, %get3A_53] : memref<16x1xf32, #tpu.memory_space<smem>>
    %broadcast_in_dim3A_55 = vector.broadcast %get3A_54 : f32 to vector<100000xf32>
    %select_n3A_56 = arith.select %eq3A_51, %broadcast_in_dim3A_55, %select_n3A_43 : vector<100000xi1>, vector<100000xf32>
    %get3A_57 = arith.constant 3 : index
    %get3A_58 = arith.constant 0 : index
    %get3A_59 = memref.load %arg4[%get3A_57, %get3A_58] : memref<16x1xf32, #tpu.memory_space<smem>>
    %broadcast_in_dim3A_60 = vector.broadcast %get3A_59 : f32 to vector<100000xf32>
    %select_n3A_61 = arith.select %eq3A_51, %broadcast_in_dim3A_60, %select_n3A_48 : vector<100000xi1>, vector<100000xf32>
    %eq3A_62 = arith.constant 4 : i32
    %eq3A_63 = vector.broadcast %eq3A_62 : i32 to vector<100000xi32>
    %eq3A_64 = arith.cmpi eq, %get3A_6, %eq3A_63 : vector<100000xi32>
    %get3A_65 = arith.constant 4 : index
    %get3A_66 = arith.constant 0 : index
    %get3A_67 = memref.load %arg3[%get3A_65, %get3A_66] : memref<16x1xf32, #tpu.memory_space<smem>>
    %broadcast_in_dim3A_68 = vector.broadcast %get3A_67 : f32 to vector<100000xf32>
    %select_n3A_69 = arith.select %eq3A_64, %broadcast_in_dim3A_68, %select_n3A_56 : vector<100000xi1>, vector<100000xf32>
    %get3A_70 = arith.constant 4 : index
    %get3A_71 = arith.constant 0 : index
    %get3A_72 = memref.load %arg4[%get3A_70, %get3A_71] : memref<16x1xf32, #tpu.memory_space<smem>>
    %broadcast_in_dim3A_73 = vector.broadcast %get3A_72 : f32 to vector<100000xf32>
    %select_n3A_74 = arith.select %eq3A_64, %broadcast_in_dim3A_73, %select_n3A_61 : vector<100000xi1>, vector<100000xf32>
    %eq3A_75 = arith.constant 5 : i32
    %eq3A_76 = vector.broadcast %eq3A_75 : i32 to vector<100000xi32>
    %eq3A_77 = arith.cmpi eq, %get3A_6, %eq3A_76 : vector<100000xi32>
    %get3A_78 = arith.constant 5 : index
    %get3A_79 = arith.constant 0 : index
    %get3A_80 = memref.load %arg3[%get3A_78, %get3A_79] : memref<16x1xf32, #tpu.memory_space<smem>>
    %broadcast_in_dim3A_81 = vector.broadcast %get3A_80 : f32 to vector<100000xf32>
    %select_n3A_82 = arith.select %eq3A_77, %broadcast_in_dim3A_81, %select_n3A_69 : vector<100000xi1>, vector<100000xf32>
    %get3A_83 = arith.constant 5 : index
    %get3A_84 = arith.constant 0 : index
    %get3A_85 = memref.load %arg4[%get3A_83, %get3A_84] : memref<16x1xf32, #tpu.memory_space<smem>>
    %broadcast_in_dim3A_86 = vector.broadcast %get3A_85 : f32 to vector<100000xf32>
    %select_n3A_87 = arith.select %eq3A_77, %broadcast_in_dim3A_86, %select_n3A_74 : vector<100000xi1>, vector<100000xf32>
    %eq3A_88 = arith.constant 6 : i32
    %eq3A_89 = vector.broadcast %eq3A_88 : i32 to vector<100000xi32>
    %eq3A_90 = arith.cmpi eq, %get3A_6, %eq3A_89 : vector<100000xi32>
    %get3A_91 = arith.constant 6 : index
    %get3A_92 = arith.constant 0 : index
    %get3A_93 = memref.load %arg3[%get3A_91, %get3A_92] : memref<16x1xf32, #tpu.memory_space<smem>>
    %broadcast_in_dim3A_94 = vector.broadcast %get3A_93 : f32 to vector<100000xf32>
    %select_n3A_95 = arith.select %eq3A_90, %broadcast_in_dim3A_94, %select_n3A_82 : vector<100000xi1>, vector<100000xf32>
    %get3A_96 = arith.constant 6 : index
    %get3A_97 = arith.constant 0 : index
    %get3A_98 = memref.load %arg4[%get3A_96, %get3A_97] : memref<16x1xf32, #tpu.memory_space<smem>>
    %broadcast_in_dim3A_99 = vector.broadcast %get3A_98 : f32 to vector<100000xf32>
    %select_n3A_100 = arith.select %eq3A_90, %broadcast_in_dim3A_99, %select_n3A_87 : vector<100000xi1>, vector<100000xf32>
    %eq3A_101 = arith.constant 7 : i32
    %eq3A_102 = vector.broadcast %eq3A_101 : i32 to vector<100000xi32>
    %eq3A_103 = arith.cmpi eq, %get3A_6, %eq3A_102 : vector<100000xi32>
    %get3A_104 = arith.constant 7 : index
    %get3A_105 = arith.constant 0 : index
    %get3A_106 = memref.load %arg3[%get3A_104, %get3A_105] : memref<16x1xf32, #tpu.memory_space<smem>>
    %broadcast_in_dim3A_107 = vector.broadcast %get3A_106 : f32 to vector<100000xf32>
    %select_n3A_108 = arith.select %eq3A_103, %broadcast_in_dim3A_107, %select_n3A_95 : vector<100000xi1>, vector<100000xf32>
    %get3A_109 = arith.constant 7 : index
    %get3A_110 = arith.constant 0 : index
    %get3A_111 = memref.load %arg4[%get3A_109, %get3A_110] : memref<16x1xf32, #tpu.memory_space<smem>>
    %broadcast_in_dim3A_112 = vector.broadcast %get3A_111 : f32 to vector<100000xf32>
    %select_n3A_113 = arith.select %eq3A_103, %broadcast_in_dim3A_112, %select_n3A_100 : vector<100000xi1>, vector<100000xf32>
    %eq3A_114 = arith.constant 8 : i32
    %eq3A_115 = vector.broadcast %eq3A_114 : i32 to vector<100000xi32>
    %eq3A_116 = arith.cmpi eq, %get3A_6, %eq3A_115 : vector<100000xi32>
    %get3A_117 = arith.constant 8 : index
    %get3A_118 = arith.constant 0 : index
    %get3A_119 = memref.load %arg3[%get3A_117, %get3A_118] : memref<16x1xf32, #tpu.memory_space<smem>>
    %broadcast_in_dim3A_120 = vector.broadcast %get3A_119 : f32 to vector<100000xf32>
    %select_n3A_121 = arith.select %eq3A_116, %broadcast_in_dim3A_120, %select_n3A_108 : vector<100000xi1>, vector<100000xf32>
    %get3A_122 = arith.constant 8 : index
    %get3A_123 = arith.constant 0 : index
    %get3A_124 = memref.load %arg4[%get3A_122, %get3A_123] : memref<16x1xf32, #tpu.memory_space<smem>>
    %broadcast_in_dim3A_125 = vector.broadcast %get3A_124 : f32 to vector<100000xf32>
    %select_n3A_126 = arith.select %eq3A_116, %broadcast_in_dim3A_125, %select_n3A_113 : vector<100000xi1>, vector<100000xf32>
    %eq3A_127 = arith.constant 9 : i32
    %eq3A_128 = vector.broadcast %eq3A_127 : i32 to vector<100000xi32>
    %eq3A_129 = arith.cmpi eq, %get3A_6, %eq3A_128 : vector<100000xi32>
    %get3A_130 = arith.constant 9 : index
    %get3A_131 = arith.constant 0 : index
    %get3A_132 = memref.load %arg3[%get3A_130, %get3A_131] : memref<16x1xf32, #tpu.memory_space<smem>>
    %broadcast_in_dim3A_133 = vector.broadcast %get3A_132 : f32 to vector<100000xf32>
    %select_n3A_134 = arith.select %eq3A_129, %broadcast_in_dim3A_133, %select_n3A_121 : vector<100000xi1>, vector<100000xf32>
    %get3A_135 = arith.constant 9 : index
    %get3A_136 = arith.constant 0 : index
    %get3A_137 = memref.load %arg4[%get3A_135, %get3A_136] : memref<16x1xf32, #tpu.memory_space<smem>>
    %broadcast_in_dim3A_138 = vector.broadcast %get3A_137 : f32 to vector<100000xf32>
    %select_n3A_139 = arith.select %eq3A_129, %broadcast_in_dim3A_138, %select_n3A_126 : vector<100000xi1>, vector<100000xf32>
    %eq3A_140 = arith.constant 10 : i32
    %eq3A_141 = vector.broadcast %eq3A_140 : i32 to vector<100000xi32>
    %eq3A_142 = arith.cmpi eq, %get3A_6, %eq3A_141 : vector<100000xi32>
    %get3A_143 = arith.constant 10 : index
    %get3A_144 = arith.constant 0 : index
    %get3A_145 = memref.load %arg3[%get3A_143, %get3A_144] : memref<16x1xf32, #tpu.memory_space<smem>>
    %broadcast_in_dim3A_146 = vector.broadcast %get3A_145 : f32 to vector<100000xf32>
    %select_n3A_147 = arith.select %eq3A_142, %broadcast_in_dim3A_146, %select_n3A_134 : vector<100000xi1>, vector<100000xf32>
    %get3A_148 = arith.constant 10 : index
    %get3A_149 = arith.constant 0 : index
    %get3A_150 = memref.load %arg4[%get3A_148, %get3A_149] : memref<16x1xf32, #tpu.memory_space<smem>>
    %broadcast_in_dim3A_151 = vector.broadcast %get3A_150 : f32 to vector<100000xf32>
    %select_n3A_152 = arith.select %eq3A_142, %broadcast_in_dim3A_151, %select_n3A_139 : vector<100000xi1>, vector<100000xf32>
    %eq3A_153 = arith.constant 11 : i32
    %eq3A_154 = vector.broadcast %eq3A_153 : i32 to vector<100000xi32>
    %eq3A_155 = arith.cmpi eq, %get3A_6, %eq3A_154 : vector<100000xi32>
    %get3A_156 = arith.constant 11 : index
    %get3A_157 = arith.constant 0 : index
    %get3A_158 = memref.load %arg3[%get3A_156, %get3A_157] : memref<16x1xf32, #tpu.memory_space<smem>>
    %broadcast_in_dim3A_159 = vector.broadcast %get3A_158 : f32 to vector<100000xf32>
    %select_n3A_160 = arith.select %eq3A_155, %broadcast_in_dim3A_159, %select_n3A_147 : vector<100000xi1>, vector<100000xf32>
    %get3A_161 = arith.constant 11 : index
    %get3A_162 = arith.constant 0 : index
    %get3A_163 = memref.load %arg4[%get3A_161, %get3A_162] : memref<16x1xf32, #tpu.memory_space<smem>>
    %broadcast_in_dim3A_164 = vector.broadcast %get3A_163 : f32 to vector<100000xf32>
    %select_n3A_165 = arith.select %eq3A_155, %broadcast_in_dim3A_164, %select_n3A_152 : vector<100000xi1>, vector<100000xf32>
    %eq3A_166 = arith.constant 12 : i32
    %eq3A_167 = vector.broadcast %eq3A_166 : i32 to vector<100000xi32>
    %eq3A_168 = arith.cmpi eq, %get3A_6, %eq3A_167 : vector<100000xi32>
    %get3A_169 = arith.constant 12 : index
    %get3A_170 = arith.constant 0 : index
    %get3A_171 = memref.load %arg3[%get3A_169, %get3A_170] : memref<16x1xf32, #tpu.memory_space<smem>>
    %broadcast_in_dim3A_172 = vector.broadcast %get3A_171 : f32 to vector<100000xf32>
    %select_n3A_173 = arith.select %eq3A_168, %broadcast_in_dim3A_172, %select_n3A_160 : vector<100000xi1>, vector<100000xf32>
    %get3A_174 = arith.constant 12 : index
    %get3A_175 = arith.constant 0 : index
    %get3A_176 = memref.load %arg4[%get3A_174, %get3A_175] : memref<16x1xf32, #tpu.memory_space<smem>>
    %broadcast_in_dim3A_177 = vector.broadcast %get3A_176 : f32 to vector<100000xf32>
    %select_n3A_178 = arith.select %eq3A_168, %broadcast_in_dim3A_177, %select_n3A_165 : vector<100000xi1>, vector<100000xf32>
    %eq3A_179 = arith.constant 13 : i32
    %eq3A_180 = vector.broadcast %eq3A_179 : i32 to vector<100000xi32>
    %eq3A_181 = arith.cmpi eq, %get3A_6, %eq3A_180 : vector<100000xi32>
    %get3A_182 = arith.constant 13 : index
    %get3A_183 = arith.constant 0 : index
    %get3A_184 = memref.load %arg3[%get3A_182, %get3A_183] : memref<16x1xf32, #tpu.memory_space<smem>>
    %broadcast_in_dim3A_185 = vector.broadcast %get3A_184 : f32 to vector<100000xf32>
    %select_n3A_186 = arith.select %eq3A_181, %broadcast_in_dim3A_185, %select_n3A_173 : vector<100000xi1>, vector<100000xf32>
    %get3A_187 = arith.constant 13 : index
    %get3A_188 = arith.constant 0 : index
    %get3A_189 = memref.load %arg4[%get3A_187, %get3A_188] : memref<16x1xf32, #tpu.memory_space<smem>>
    %broadcast_in_dim3A_190 = vector.broadcast %get3A_189 : f32 to vector<100000xf32>
    %select_n3A_191 = arith.select %eq3A_181, %broadcast_in_dim3A_190, %select_n3A_178 : vector<100000xi1>, vector<100000xf32>
    %eq3A_192 = arith.constant 14 : i32
    %eq3A_193 = vector.broadcast %eq3A_192 : i32 to vector<100000xi32>
    %eq3A_194 = arith.cmpi eq, %get3A_6, %eq3A_193 : vector<100000xi32>
    %get3A_195 = arith.constant 14 : index
    %get3A_196 = arith.constant 0 : index
    %get3A_197 = memref.load %arg3[%get3A_195, %get3A_196] : memref<16x1xf32, #tpu.memory_space<smem>>
    %broadcast_in_dim3A_198 = vector.broadcast %get3A_197 : f32 to vector<100000xf32>
    %select_n3A_199 = arith.select %eq3A_194, %broadcast_in_dim3A_198, %select_n3A_186 : vector<100000xi1>, vector<100000xf32>
    %get3A_200 = arith.constant 14 : index
    %get3A_201 = arith.constant 0 : index
    %get3A_202 = memref.load %arg4[%get3A_200, %get3A_201] : memref<16x1xf32, #tpu.memory_space<smem>>
    %broadcast_in_dim3A_203 = vector.broadcast %get3A_202 : f32 to vector<100000xf32>
    %select_n3A_204 = arith.select %eq3A_194, %broadcast_in_dim3A_203, %select_n3A_191 : vector<100000xi1>, vector<100000xf32>
    %eq3A_205 = arith.constant 15 : i32
    %eq3A_206 = vector.broadcast %eq3A_205 : i32 to vector<100000xi32>
    %eq3A_207 = arith.cmpi eq, %get3A_6, %eq3A_206 : vector<100000xi32>
    %get3A_208 = arith.constant 15 : index
    %get3A_209 = arith.constant 0 : index
    %get3A_210 = memref.load %arg3[%get3A_208, %get3A_209] : memref<16x1xf32, #tpu.memory_space<smem>>
    %broadcast_in_dim3A_211 = vector.broadcast %get3A_210 : f32 to vector<100000xf32>
    %select_n3A_212 = arith.select %eq3A_207, %broadcast_in_dim3A_211, %select_n3A_199 : vector<100000xi1>, vector<100000xf32>
    %get3A_213 = arith.constant 15 : index
    %get3A_214 = arith.constant 0 : index
    %get3A_215 = memref.load %arg4[%get3A_213, %get3A_214] : memref<16x1xf32, #tpu.memory_space<smem>>
    %broadcast_in_dim3A_216 = vector.broadcast %get3A_215 : f32 to vector<100000xf32>
    %select_n3A_217 = arith.select %eq3A_207, %broadcast_in_dim3A_216, %select_n3A_204 : vector<100000xi1>, vector<100000xf32>
    %mul3A = arith.mulf %get3A_8, %select_n3A_212 : vector<100000xf32>
    %add3A = arith.addf %mul3A, %select_n3A_217 : vector<100000xf32>
    %select_n3A_218 = arith.select %gt3A_4, %add3A, %get3A_8 : vector<100000xi1>, vector<100000xf32>
    %swap3A = arith.constant 0 : index
    %swap3A_219 = vector.load %arg5[%swap3A] : memref<100000xf32, #tpu.memory_space<vmem>>, vector<100000xf32>
    tpu.vector_store %arg5[%swap3A], %select_n3A_218 {strides = array<i32>} : memref<100000xf32, #tpu.memory_space<vmem>>, vector<100000xf32>,
    return
  }
}

</mosaic_0001>

<sc_bundles>
// kernel: kernel.4.cloned.1.call-start
scs
__scs_entry_jumppad:
0x0: {  	(pc) =	sbr.rel $0x88, $3  }
0x1: {  	(tag) =	ssettag $0x0;
	lr =	simm.s32 $0x1  }
0x2: {  	[smem:$0x3F9C] =	sst lr;
	_ =	strace $0xD0000000  }
0x3: {  	_ = 	snop  }
0x4: {  	_ = 	snop  }
0x5: {  	_ = 	snop  }
0x6: {  	_ = 	snop  }
0x7: {  	_ = 	snop  }
__scs_overlays_trampoline_lowered:
0x8: {  	[smem:$0x3FAB] =	sst s0  }
0x9: {  	[smem:$0x3FAC] =	sst s1  }
0xa: {  	[smem:$0x3FAD] =	sst s2  }
0xb: {  	[smem:$0x3FAE] =	sst s3  }
0xc: {  	[smem:$0x3FAF] =	sst s4  }
0xd: {  	[smem:$0x3FB0] =	sst s5  }
0xe: {  	[smem:$0x3FB1] =	sst s6  }
0xf: {  	[smem:$0x3FB2] =	sst s7  }
0x10: {  	[smem:$0x3FB3] =	sst s8  }
0x11: {  	[smem:$0x3FB4] =	sst s9;
	s0 =	simm.s32 @!p0 $0x0  }
0x12: {  	s1 =	sld [smem:$0x3F9A];
	s0 =	simm.s32 @p0 $0x1  }
0x13: {  	[smem:$0x3FB5] =	sst s0;
	s0 =	simm.s32 @!p1 $0x0  }
0x14: {  	s2 =	sld [smem:$0x3F99];
	s0 =	simm.s32 @p1 $0x1  }
0x15: {  	[smem:$0x3FB6] =	sst s0;
	s0 =	simm.s32 @!p2 $0x0  }
0x16: {  	s3 =	sld [smem:$0x3FDB];
	s0 =	simm.s32 @p2 $0x1  }
0x17: {  	s4 =	simm.s32 $0x1BF5;
	[smem:$0x3FB8] =	sst s0  }
0x18: {  	s0 =	sld [smem:$0x3F9B];
	_ =	swait.ge [sflag:s4], $0x0  }
0x19: {  	s7 =	sld [smem:$0x3F9C]  }
0x1a: {  	s8 =	sadd.s32 $0xFFFFE003, lr  }
0x1b: {  	s9 =	sadd.s32 $0xFFFFFEF7, lr;
	s5 =	simm.s32 $0xFFFFFFFF;
	p2 =	slt.u32 s8, $0xFFFFF086  }
0x1c: {  	p1 =	slt.u32 s9, $0xF7A;
	s5 =	simm.s32 @!p2 $0x0  }
0x1d: {  	s5 =	simm.s32 @p1 $0x1;
	p0 =	seq.s32 s7, s2  }
0x1e: {  	s7 =	smul.u32 @!p0 $0xF7A, s2;
	p2 =	seq.s32 @!p0 s5, $0x0  }
0x1f: {  	s9 =	smul.u32 $0xF7A, s1;
	s8 =	simm.s32 @!p0 $0x1BF5;
	p2 =	por !p2, p0  }
0x20: {  	[sflag:s8] =	ssyncset.s32 @!p0 $0xFFFFF086;
	s6 =	sadd.s32 @!p0 s3, s7;
	s7 =	simm.s32 @!p0 $0x108  }
0x21: {  	s3 =	sadd.s32 s3, s9;
	s6 =	sadd.s32 @!p0 $0x88, s6;
	s7 =	simm.s32 @p2 $0x1082  }
0x22: {  	[simem:s7], [sflag:s8] =	dma.local @!p0 [hbm:s6], $0xF7A  }
0x23: {  	s9 =	sor.u32 $0xD0000000, s2;
	s6 =	simm.s32 $0x108;
	_ =	swait.ge @!p0 [sflag:s8], $0x0  }
0x24: {  	s3 =	sadd.s32 $0x88, s3;
	s6 =	simm.s32 @!p1 $0x1082;
	[sflag:s4] =	ssyncset.s32 $0xFFFFF086  }
0x25: {  	[simem:s6], [sflag:s4] =	dma.local [hbm:s3], $0xF7A  }
0x26: {  	[smem:$0x3F9C] =	sst s1;
	(tag) =	ssettag s2;
	_ =	strace s9  }
0x27: {  	s1 =	sld [smem:$0x3FAC]  }
0x28: {  	s2 =	sld [smem:$0x3FAD]  }
0x29: {  	s4 =	sld [smem:$0x3FAF]  }
0x2a: {  	p0 =	seq.s32 s5, $0x0;
	s5 =	sld [smem:$0x3FB0]  }
0x2b: {  	s6 =	sld [smem:$0x3FB1]  }
0x2c: {  	s7 =	sld [smem:$0x3FB2]  }
0x2d: {  	s3 =	simm.s32 $0x108;
	s8 =	sld [smem:$0x3FB3]  }
0x2e: {  	s3 =	simm.s32 @!p0 $0x1082;
	s9 =	sld [smem:$0x3FB4]  }
0x2f: {  	lr =	sadd.s32 s0, s3;
	s0 =	sld [smem:$0x3FAB]  }
0x30: {  	s3 =	sld [smem:$0x3FAE]  }
0x31: {  	[smem:$0x3FB7] =	sst s10  }
0x32: {  	s10 =	sld [smem:$0x3FB5];
	_ =	sdelay $0x3  }
0x33: {  	p0 =	seq.s32 s10, $0x1;
	s10 =	sld [smem:$0x3FB7];
	_ =	sdelay $0x3  }
0x34: {  	[smem:$0x3FB7] =	sst s10  }
0x35: {  	s10 =	sld [smem:$0x3FB6];
	_ =	sdelay $0x3  }
0x36: {  	p1 =	seq.s32 s10, $0x1;
	s10 =	sld [smem:$0x3FB7];
	_ =	sdelay $0x3  }
0x37: {  	[smem:$0x3FB7] =	sst s10  }
0x38: {  	s10 =	sld [smem:$0x3FB8]  }
0x39: {  	_ = 	snop;
	(pc) =	sbr.ind lr, $3  }
0x3a: {  	_ = 	snop  }
0x3b: {  	_ = 	snop  }
0x3c: {  	p2 =	seq.s32 s10, $0x1;
	s10 =	sld [smem:$0x3FB7]  }
0x3d: {  	_ =	shalt  }
0x3e: {  	_ =	shalt  }
0x3f: {  	_ =	shalt  }
0x40: {  	_ =	shalt  }
0x41: {  	_ =	shalt  }
0x42: {  	_ =	shalt  }
0x43: {  	_ =	shalt  }
0x44: {  	_ =	shalt  }
0x45: {  	_ =	shalt  }
0x46: {  	_ =	shalt  }
0x47: {  	_ =	shalt  }
0x48: {  	_ =	shalt  }
0x49: {  	_ =	shalt  }
0x4a: {  	_ =	shalt  }
0x4b: {  	_ =	shalt  }
0x4c: {  	_ =	shalt  }
0x4d: {  	_ =	shalt  }
0x4e: {  	_ =	shalt  }
0x4f: {  	_ =	shalt  }
0x50: {  	_ =	shalt  }
0x51: {  	_ =	shalt  }
0x52: {  	_ =	shalt  }
0x53: {  	_ =	shalt  }
0x54: {  	_ =	shalt  }
0x55: {  	_ =	shalt  }
0x56: {  	_ =	shalt  }
0x57: {  	_ =	shalt  }
0x58: {  	_ =	shalt  }
0x59: {  	_ =	shalt  }
0x5a: {  	_ =	shalt  }
0x5b: {  	_ =	shalt  }
0x5c: {  	_ =	shalt  }
0x5d: {  	_ =	shalt  }
0x5e: {  	_ =	shalt  }
0x5f: {  	_ =	shalt  }
0x60: {  	_ =	shalt  }
0x61: {  	_ =	shalt  }
0x62: {  	_ =	shalt  }
0x63: {  	_ =	shalt  }
0x64: {  	_ =	shalt  }
0x65: {  	_ =	shalt  }
0x66: {  	_ =	shalt  }
0x67: {  	_ =	shalt  }
0x68: {  	_ =	shalt  }
0x69: {  	_ =	shalt  }
0x6a: {  	_ =	shalt  }
0x6b: {  	_ =	shalt  }
0x6c: {  	_ =	shalt  }
0x6d: {  	_ =	shalt  }
0x6e: {  	_ =	shalt  }
0x6f: {  	_ =	shalt  }
0x70: {  	_ =	shalt  }
0x71: {  	_ =	shalt  }
0x72: {  	_ =	shalt  }
0x73: {  	_ =	shalt  }
0x74: {  	_ =	shalt  }
0x75: {  	_ =	shalt  }
0x76: {  	_ =	shalt  }
0x77: {  	_ =	shalt  }
0x78: {  	_ =	shalt  }
0x79: {  	_ =	shalt  }
0x7a: {  	_ =	shalt  }
0x7b: {  	_ =	shalt  }
0x7c: {  	_ =	shalt  }
0x7d: {  	_ =	shalt  }
0x7e: {  	_ =	shalt  }
0x7f: {  	_ =	shalt  }
0x80: {  	_ =	shalt  }
0x81: {  	_ =	shalt  }
0x82: {  	_ =	shalt  }
0x83: {  	_ =	shalt  }
0x84: {  	_ =	shalt  }
0x85: {  	_ =	shalt  }
0x86: {  	_ =	shalt  }
0x87: {  	_ =	shalt  }
.Lfunc_end0:
.L_simem_size_0:
called_computation_lowered:
.L_overlay_start_0:
0x88: {  	s2 =	sld [smem:$0x3FD9]  }
0x89: {  	s3 =	sld [smem:$0x3FFE];
	_ =	sdelay $0x1  }
0x8a: {  	s1 =	srdreg.scid  }
0x8b: {  	s0 =	sand.u32 $0x1, s1  }
0x8c: {  	s17 =	sshll.u32 s0, $0xA;
	s2 =	sadd.s32 s3, s2  }
0x8d: {  	s2 =	sadd.s32 s2, s17  }
0x8e: {  	[smem:$0x3FC3] =	sst s2  }
0x8f: {  	_ = 	snop  }
0x90: {  	s2 =	sld [smem:$0x3FC8];
	(tm) =	ssettm $0x1  }
0x91: {  	s18 =	sld [smem:$0x3FFB];
	_ =	sdelay $0x3  }
0x92: {  	_ =	strace s18  }
0x93: {  	s3 =	sld [smem:$0x3FFC];
	_ =	sdelay $0x3  }
0x94: {  	_ =	strace s3  }
0x95: {  	s3 =	sld [smem:$0x3FFD];
	_ =	sdelay $0x3  }
0x96: {  	_ =	strace s3  }
0x97: {  	_ =	strace $0x8FFFFFFF  }
0x98: {  	s19 =	sld [smem:$0x3FDB];
	_ =	sdelay $0x1  }
0x99: {  	s4 =	simm.s32 $_scs_section_size  }
0x9a: {  	s5 =	simm.s32 $_size__tile_overlayer_lowered;
	s6 =	simm.s32 $_tile_overlayer_lowered  }
0x9b: {  	s22 =	simm.s32 $0x1BFF;
	s21 =	sshll.u32 s6, $0x1;
	s3 =	sadd.s32 s4, s19  }
0x9c: {  	s7 =	simm.s32 $0x0;
	s20 =	sshll.u32 s5, $0x1;
	s5 =	sadd.s32 s21, s3  }
0x9d: {  	[timem:s7], [sflag:s22] =	dma.local [hbm:s5], s20  }
0x9e: {  	_ =	swait.ge [sflag:s22], s20  }
0x9f: {  	s4 =	ssub.s32 $0x0, s20;
	[sflag:s22] =	ssyncset.done $0x0  }
0xa0: {  	[sflag:s22] =	ssyncadd.s32 s4;
	_ =	sdelay $0x1  }
0xa1: {  	s23 =	simm.s32 $0x1B8B  }
0xa2: {  	_ =	swait.ge [sflag:s23], $0x1  }
0xa3: {  	[sflag:s23] =	ssyncset.done $0x0  }
0xa4: {  	s25 =	simm.s32 $0x1B8E;
	s24 =	sld [smem:$0x3FFE];
	[sflag:s23] =	ssyncadd.s32 $0xFFFFFFFF  }
0xa5: {  	s26 =	simm.s32 $execute0_lowered;
	[smem:$0x3FD2] =	sst s25  }
0xa6: {  	s5 =	sshll.u32 s26, $0x1;
	_ =	strace $0x80000046;
	[dreg:$0x1] =	wrdreg $0xFFFFFFFF  }
0xa7: {  	s28 =	simm.s32 $_size_execute0_lowered;
	s3 =	sadd.s32 s3, s5;
	[dreg:$0x0] =	wrdreg $0x0  }
0xa8: {  	s5 =	sshll.u32 s28, $0x1;
	[dreg:$0x2] =	wrdreg s3  }
0xa9: {  	[dreg:$0x3] =	wrdreg s5  }
0xaa: {  	[dreg:$0x4] =	wrdreg $0xC0  }
0xab: {  	_ =	task [dreg:s7], $0x5FFFF  }
0xac: {  	[dreg:$0x1] =	wrdreg $0xFFFFFFFF  }
0xad: {  	[dreg:$0x0] =	wrdreg $0x60  }
0xae: {  	[dreg:$0x2] =	wrdreg s2  }
0xaf: {  	[dreg:$0x3] =	wrdreg s24  }
0xb0: {  	[dreg:$0x4] =	wrdreg $0x9  }
0xb1: {  	_ =	task.clear_ibuf [dreg:s7], $0x5FFFF;
	_ =	strace $0x90000046  }
0xb2: {  	s29 =	simm.s32 $0x9;
	_ =	strace $0x80000048  }
0xb3: {  	_ =	swait.ge [sflag:s29], $0x1  }
0xb4: {  	[sflag:s29] =	ssyncadd.s32 $0xFFFFFFFF  }
0xb5: {  	_ =	strace $0x90000048  }
0xb6: {  	_ =	sfence  }
0xb7: {  	s30 =	sld [smem:$0x0];
	_ =	sdelay $0x2  }
0xb8: {  	s31 =	sshll.u32 s1, $0xD;
	s1 =	sshrl.u32 s1, $0x2  }
0xb9: {  	s3 =	sand.u32 $0x4000, s31;
	s1 =	sadd.s32 s1, s30  }
0xba: {  	s0 =	sor.u32 s3, s0;
	s1 =	sshll.u32 s1, $0x11  }
0xbb: {  	s0 =	sor.u32 s1, s0  }
0xbc: {  	s0 =	sadd.s32 $0x8F2B, s0  }
0xbd: {  	[sflag:s0] =	ssyncadd.remote.s32 $0x1  }
0xbe: {  	_ =	sfence.sel $0xFFFF  }
0xbf: {  	[dreg:$0x0] =	wrdreg $0xFFFFFFFF;
	(pc) =	sbr.abs _section_cstart, $3  }
0xc0: {  	[dreg:$0x1] =	wrdreg $0xFFFFFFFF  }
0xc1: {  	_ =	task.clear_ibuf [dreg:s7], $0x2FFFF;
	_ =	strace $0x9FFFFFFF  }
0xc2: {  	(tm) =	ssettm $0x7FFFFFFF  }
0xc3: {  	_ =	shalt  }
tec
execute0_lowered:
.L_overlay_start_1:
0x0: {  	(tag) =	ssettag $0x1  }
0x1: {  	s1 =	srdreg.scid;
	s2 =	rddreg [dreg:$0x0]  }
0x2: {  	s0 =	stileid.u32;
	s5 =	rddreg [dreg:$0x1];
	s3 =	simm.s32 $0x0  }
0x3: {  	s13 =	simm.s32 $0x100;
	s14 =	simm.s32 $0x18700;
	s15 =	simm.s32 $0x1AF00  }
0x4: {  	s16 =	simm.s32 $0x1;
	s17 =	simm.s32 $0x2;
	s18 =	simm.s32 $0x3  }
0x5: {  	s20 =	simm.s32 $0x0;
	s4 =	sand.u32 $0x1, s1;
	s1 =	rddreg [dreg:$0x2]  }
0x6: {  	s29 =	sshll.u32 s0, $0x1;
	s30 =	sshrl.u32 s0, $0x2;
	[smem:$0x7FF] =	sst s3  }
0x7: {  	s19 =	sor.u32 s4, s29;
	s6 =	smul.u32 $0xC3800, s30;
	_ =	strace $0x80000047  }
0x8: {  	s4 =	ssub.s32 $0x2, s4;
	s7 =	sshll.u32 s19, $0x7;
	s31 =	smul.u32 $0x5000, s19  }
0x9: {  	s8 =	sshrl.u32 s4, $0x1;
	s9 =	smul.u32 $0xA00, s19;
	s7 =	sand.u32 $0x380, s7  }
0xa: {  	p0 =	sgt.u32 s19, $0x10;
	s11 =	ssub.s32 s4, s8;
	s6 =	sor.u32 s6, s7  }
.Ltmp0:
0xb: {  	s7 =	sshrl.u32 s31, $0x3;
	s4 =	sadd.s32 s2, s9;
	(pc) =	sbr.rel .LBB2_1-.Ltmp0, $4  }
0xc: {  	s11 =	smax.u32 s11, $0x1;
	s6 =	sshrl.u32 s6, $0x3;
	s12 =	sadd.s32 s2, s7  }
0xd: {  	s7 =	sor.u32 $0x60, s19;
	s10 =	sadd.s32 s6, s5;
	s5 =	sadd.s32 $0x14000, s12  }
0xe: {  	s6 =	sor.u32 $0x40, s19;
	s8 =	sadd.s32 $0x168000, s12;
	s9 =	sadd.s32 $0x17C000, s12  }
0xf: {  	v0 =	vimm.s32 $0x0;
	v1 =	vimm.s32 $0x1;
	s12 =	simm.s32 $0x80;
	s19 =	simm.s32 $0x400;
	s10 =	sadd.s32 $0x400, s10  }
.LBB2_17:
0x10: {  	s20 =	sadd.s32 $0x1, s20  }
0x11: {  	p1 =	sne.s32 s20, s11  }
.Ltmp1:
0x12: {  	_ = 	snop;
	(pc) =	sbr.rel @!p1 .LBB2_18-.Ltmp1, $4  }
0x13: {  	[hbm4b:s10+s12] =	stream.strided.scatter [tilespmem:s3], [sflag:$0x3], $0x18700, s19, s12, $0x38;
	[tilespmem:$0x1D700] =	vst v63  }
0x14: {  	_ =	swait.ge [sflag:s18], $0x18700  }
0x15: {  	[sflag:s18] =	ssyncset.done $0x0  }
0x16: {  	[sflag:s18] =	ssyncadd.s32 $0xFFFE7900  }
.LBB2_1:
0x17: {  	[tilespmem:s14], [sflag:$0x1] =	stream.strided.gather [hbm4b:s4+s12], $0x2800, s13, s12, $0x38;
	[tilespmem:$0x1D700] =	vst v63  }
0x18: {  	s21 =	simm.s32 $0x40  }
0x19: {  	[tilespmem:s15], [sflag:$0x2] =	stream.strided.gather [hbm4b:s5+s12], $0x2800, s13, s12, $0x38;
	[tilespmem:$0x1D700] =	vst v63  }
0x1a: {  	[tilespmem:s21+$0xFFFFFFC0] =	vst v0  }
0x1b: {  	[tilespmem:s21+$0x30] =	vst v0  }
0x1c: {  	[tilespmem:s21+$0x20] =	vst v0  }
0x1d: {  	[tilespmem:s21+$0x10] =	vst v0  }
0x1e: {  	[tilespmem:s21+$0x0] =	vst v0  }
0x1f: {  	[tilespmem:s21+$0xFFFFFFF0] =	vst v0  }
0x20: {  	s24 =	simm.s32 $0x0;
	s22 =	simm.s32 $0x18680;
	[tilespmem:s21+$0xFFFFFFE0] =	vst v0  }
.LBB2_2:
0x21: {  	s24 =	sadd.s32 $0x80, s24;
	[tilespmem:s21+$0xFFFFFFD0] =	vst v0;
	s21 =	sadd.s32 $0x80, s21;
	s23 =	simm.s32 $0x18670  }
0x22: {  	[tilespmem:s21+$0xFFFFFFC0] =	vst v0;
	p1 =	slt.u32 s24, $0x18600  }
0x23: {  	[tilespmem:s21+$0x30] =	vst v0  }
.Ltmp2:
0x24: {  	[tilespmem:s21+$0x20] =	vst v0;
	(pc) =	sbr.rel @p1 .LBB2_2-.Ltmp2, $4  }
0x25: {  	[tilespmem:s21+$0x10] =	vst v0  }
0x26: {  	[tilespmem:s21+$0x0] =	vst v0  }
0x27: {  	[tilespmem:s21+$0xFFFFFFF0] =	vst v0  }
0x28: {  	[tilespmem:s21+$0xFFFFFFE0] =	vst v0  }
0x29: {  	[tilespmem:s21+$0xFFFFFFD0] =	vst v0  }
.LBB2_4:
0x2a: {  	s23 =	sadd.s32 $0x10, s23  }
0x2b: {  	p1 =	slt.u32 s23, $0x18690  }
.Ltmp3:
0x2c: {  	_ = 	snop;
	(pc) =	sbr.rel @p1 .LBB2_4-.Ltmp3, $2  }
0x2d: {  	_ =	sdelay $0x2  }
0x2e: {  	[tilespmem:s22+$0x0] =	vst v0;
	s22 =	sadd.s32 $0x10, s22;
	s21 =	simm.s32 $0x0  }
.Ltmp4:
0x2f: {  	_ = 	snop;
	(pc) =	sbr.rel .LBB2_5-.Ltmp4, $1  }
0x30: {  	_ =	sdelay $0x3  }
.LBB2_10:
0x31: {  	s22 =	sadd.s32 s7, s22  }
0x32: {  	s22 =	smul.u32 $0xA00, s22;
	_ =	sdelay $0x1  }
0x33: {  	s21 =	sadd.s32 $0x1, s21;
	s22 =	sadd.s32 s2, s22  }
0x34: {  	[tilespmem:s15], [sflag:$0x2] =	stream.strided.gather [hbm4b:s22+s12], $0x2800, s13, s12, $0x38;
	[tilespmem:$0x1D700] =	vst v63  }
.LBB2_5:
0x35: {  	_ =	swait.ge [sflag:s16], $0x2800  }
0x36: {  	[sflag:s16] =	ssyncset.done $0x0  }
0x37: {  	s23 =	simm.s32 $0x18740;
	[sflag:s16] =	ssyncadd.s32 $0xFFFFD800  }
0x38: {  	v7 =	vld [tilespmem:s23+$0x30]  }
0x39: {  	v8 =	vld [tilespmem:s23+$0xFFFFFFD0]  }
0x3a: {  	v9 =	vld [tilespmem:s23+$0xFFFFFFE0]  }
0x3b: {  	v6 =	vld [tilespmem:s23+$0xFFFFFFF0]  }
0x3c: {  	v5 =	vld [tilespmem:s23+$0x0]  }
0x3d: {  	v2 =	vld [tilespmem:s23+$0x10]  }
0x3e: {  	v3 =	vld [tilespmem:s23+$0x20]  }
0x3f: {  	s22 =	simm.s32 $0x0;
	v4 =	vld [tilespmem:s23+$0xFFFFFFC0];
	s23 =	simm.s32 $0x187C0  }
.LBB2_6:
0x40: {  	s22 =	sadd.s32 $0x80, s22;
	[tilespmem:v7+s3+$0x0] =	vst.idx.msk $0xffff, v1;
	v7 =	vld [tilespmem:s23+$0x30]  }
0x41: {  	p1 =	slt.u32 s22, $0x2780;
	[tilespmem:v8+s3+$0x0] =	vst.idx.msk $0xffff, v1;
	v8 =	vld [tilespmem:s23+$0xFFFFFFD0]  }
0x42: {  	[tilespmem:v9+s3+$0x0] =	vst.idx.msk $0xffff, v1;
	v9 =	vld [tilespmem:s23+$0xFFFFFFE0]  }
.Ltmp5:
0x43: {  	[tilespmem:v6+s3+$0x0] =	vst.idx.msk $0xffff, v1;
	v6 =	vld [tilespmem:s23+$0xFFFFFFF0];
	(pc) =	sbr.rel @p1 .LBB2_6-.Ltmp5, $4  }
0x44: {  	[tilespmem:v5+s3+$0x0] =	vst.idx.msk $0xffff, v1;
	v5 =	vld [tilespmem:s23+$0x0]  }
0x45: {  	[tilespmem:v2+s3+$0x0] =	vst.idx.msk $0xffff, v1;
	v2 =	vld [tilespmem:s23+$0x10]  }
0x46: {  	[tilespmem:v3+s3+$0x0] =	vst.idx.msk $0xffff, v1;
	v3 =	vld [tilespmem:s23+$0x20]  }
0x47: {  	[tilespmem:v4+s3+$0x0] =	vst.idx.msk $0xffff, v1;
	v4 =	vld [tilespmem:s23+$0xFFFFFFC0];
	s23 =	sadd.s32 $0x80, s23  }
0x48: {  	_ =	sdelay $0x3  }
0x49: {  	[tilespmem:v7+s3+$0x0] =	vst.idx.msk $0xffff, v1  }
0x4a: {  	[tilespmem:v8+s3+$0x0] =	vst.idx.msk $0xffff, v1  }
0x4b: {  	[tilespmem:v9+s3+$0x0] =	vst.idx.msk $0xffff, v1  }
0x4c: {  	s22 =	sshll.u32 s21, $0x6;
	p1 =	seq.s32 s21, $0x8;
	[tilespmem:v6+s3+$0x0] =	vst.idx.msk $0xffff, v1  }
0x4d: {  	s23 =	sadd.s32 @!p1 s6, s22;
	[tilespmem:v5+s3+$0x0] =	vst.idx.msk $0xffff, v1  }
0x4e: {  	s23 =	smul.u32 @!p1 $0xA00, s23;
	[tilespmem:v2+s3+$0x0] =	vst.idx.msk $0xffff, v1  }
0x4f: {  	s24 =	simm.s32 @!p1 $0x80;
	[tilespmem:v3+s3+$0x0] =	vst.idx.msk $0xffff, v1  }
0x50: {  	s25 =	simm.s32 @!p1 $0x100;
	s26 =	simm.s32 @!p1 $0x18700;
	s23 =	sadd.s32 @!p1 s2, s23;
	[tilespmem:v4+s3+$0x0] =	vst.idx.msk $0xffff, v1  }
0x51: {  	[tilespmem:s26], [sflag:$0x1] =	stream.strided.gather @!p1 [hbm4b:s23+s24], $0x2800, s25, s24, $0x38;
	[tilespmem:$0x1D700] =	vst v63  }
0x52: {  	_ =	swait.ge [sflag:s17], $0x2800  }
0x53: {  	[sflag:s17] =	ssyncset.done $0x0  }
0x54: {  	s31 =	simm.s32 $0x1AF40;
	[sflag:s17] =	ssyncadd.s32 $0xFFFFD800  }
0x55: {  	v2 =	vld [tilespmem:s31+$0x30]  }
0x56: {  	v3 =	vld [tilespmem:s31+$0xFFFFFFD0]  }
0x57: {  	v4 =	vld [tilespmem:s31+$0xFFFFFFE0]  }
0x58: {  	v5 =	vld [tilespmem:s31+$0xFFFFFFF0]  }
0x59: {  	v6 =	vld [tilespmem:s31+$0x0]  }
0x5a: {  	v7 =	vld [tilespmem:s31+$0x10]  }
0x5b: {  	v8 =	vld [tilespmem:s31+$0x20]  }
0x5c: {  	s23 =	simm.s32 $0x0;
	s24 =	simm.s32 $0x1AFC0;
	v9 =	vld [tilespmem:s31+$0xFFFFFFC0]  }
.LBB2_8:
0x5d: {  	s23 =	sadd.s32 $0x80, s23;
	[tilespmem:v2+s3+$0x0] =	vst.idx.msk $0xffff, v1;
	v2 =	vld [tilespmem:s24+$0x30]  }
0x5e: {  	p2 =	slt.u32 s23, $0x2780;
	[tilespmem:v3+s3+$0x0] =	vst.idx.msk $0xffff, v1;
	v3 =	vld [tilespmem:s24+$0xFFFFFFD0]  }
0x5f: {  	[tilespmem:v4+s3+$0x0] =	vst.idx.msk $0xffff, v1;
	v4 =	vld [tilespmem:s24+$0xFFFFFFE0]  }
.Ltmp6:
0x60: {  	[tilespmem:v5+s3+$0x0] =	vst.idx.msk $0xffff, v1;
	v5 =	vld [tilespmem:s24+$0xFFFFFFF0];
	(pc) =	sbr.rel @p2 .LBB2_8-.Ltmp6, $4  }
0x61: {  	[tilespmem:v6+s3+$0x0] =	vst.idx.msk $0xffff, v1;
	v6 =	vld [tilespmem:s24+$0x0]  }
0x62: {  	[tilespmem:v7+s3+$0x0] =	vst.idx.msk $0xffff, v1;
	v7 =	vld [tilespmem:s24+$0x10]  }
0x63: {  	[tilespmem:v8+s3+$0x0] =	vst.idx.msk $0xffff, v1;
	v8 =	vld [tilespmem:s24+$0x20]  }
0x64: {  	[tilespmem:v9+s3+$0x0] =	vst.idx.msk $0xffff, v1;
	v9 =	vld [tilespmem:s24+$0xFFFFFFC0];
	s24 =	sadd.s32 $0x80, s24  }
0x65: {  	_ =	sdelay $0x3  }
0x66: {  	[tilespmem:v2+s3+$0x0] =	vst.idx.msk $0xffff, v1  }
0x67: {  	[tilespmem:v3+s3+$0x0] =	vst.idx.msk $0xffff, v1  }
0x68: {  	[tilespmem:v4+s3+$0x0] =	vst.idx.msk $0xffff, v1  }
.Ltmp7:
0x69: {  	[tilespmem:v5+s3+$0x0] =	vst.idx.msk $0xffff, v1;
	(pc) =	sbr.rel @!p1 .LBB2_10-.Ltmp7, $4  }
0x6a: {  	[tilespmem:v6+s3+$0x0] =	vst.idx.msk $0xffff, v1  }
0x6b: {  	[tilespmem:v7+s3+$0x0] =	vst.idx.msk $0xffff, v1  }
0x6c: {  	[tilespmem:v8+s3+$0x0] =	vst.idx.msk $0xffff, v1  }
0x6d: {  	[tilespmem:v9+s3+$0x0] =	vst.idx.msk $0xffff, v1  }
0x6e: {  	[tilespmem:s14], [sflag:$0x3] =	stream.strided.gather [hbm4b:s8+s12], $0x2800, s13, s12, $0x38;
	[tilespmem:$0x1D700] =	vst v63  }
0x6f: {  	_ =	swait.ge [sflag:s18], $0x2800  }
0x70: {  	[sflag:s18] =	ssyncset.done $0x0  }
0x71: {  	s22 =	simm.s32 $0x18740;
	[sflag:s18] =	ssyncadd.s32 $0xFFFFD800  }
0x72: {  	v2 =	vld [tilespmem:s22+$0x30]  }
0x73: {  	v3 =	vld [tilespmem:s22+$0xFFFFFFD0]  }
0x74: {  	v4 =	vld [tilespmem:s22+$0xFFFFFFE0]  }
0x75: {  	v5 =	vld [tilespmem:s22+$0xFFFFFFF0]  }
0x76: {  	v6 =	vld [tilespmem:s22+$0x0]  }
0x77: {  	v7 =	vld [tilespmem:s22+$0x10]  }
0x78: {  	v8 =	vld [tilespmem:s22+$0x20]  }
0x79: {  	s21 =	simm.s32 $0x0;
	v9 =	vld [tilespmem:s22+$0xFFFFFFC0];
	s22 =	simm.s32 $0x187C0  }
.LBB2_12:
0x7a: {  	s21 =	sadd.s32 $0x80, s21;
	[tilespmem:v2+s3+$0x0] =	vst.idx.msk $0xffff, v1;
	v2 =	vld [tilespmem:s22+$0x30]  }
0x7b: {  	p1 =	slt.u32 s21, $0x2780;
	[tilespmem:v3+s3+$0x0] =	vst.idx.msk $0xffff, v1;
	v3 =	vld [tilespmem:s22+$0xFFFFFFD0]  }
0x7c: {  	[tilespmem:v4+s3+$0x0] =	vst.idx.msk $0xffff, v1;
	v4 =	vld [tilespmem:s22+$0xFFFFFFE0]  }
.Ltmp8:
0x7d: {  	[tilespmem:v5+s3+$0x0] =	vst.idx.msk $0xffff, v1;
	v5 =	vld [tilespmem:s22+$0xFFFFFFF0];
	(pc) =	sbr.rel @p1 .LBB2_12-.Ltmp8, $4  }
0x7e: {  	[tilespmem:v6+s3+$0x0] =	vst.idx.msk $0xffff, v1;
	v6 =	vld [tilespmem:s22+$0x0]  }
0x7f: {  	[tilespmem:v7+s3+$0x0] =	vst.idx.msk $0xffff, v1;
	v7 =	vld [tilespmem:s22+$0x10]  }
0x80: {  	[tilespmem:v8+s3+$0x0] =	vst.idx.msk $0xffff, v1;
	v8 =	vld [tilespmem:s22+$0x20]  }
0x81: {  	[tilespmem:v9+s3+$0x0] =	vst.idx.msk $0xffff, v1;
	v9 =	vld [tilespmem:s22+$0xFFFFFFC0];
	s22 =	sadd.s32 $0x80, s22  }
0x82: {  	_ =	sdelay $0x3  }
0x83: {  	[tilespmem:v2+s3+$0x0] =	vst.idx.msk $0xffff, v1  }
0x84: {  	[tilespmem:v3+s3+$0x0] =	vst.idx.msk $0xffff, v1  }
0x85: {  	[tilespmem:v4+s3+$0x0] =	vst.idx.msk $0xffff, v1  }
.Ltmp9:
0x86: {  	[tilespmem:v5+s3+$0x0] =	vst.idx.msk $0xffff, v1;
	(pc) =	sbr.rel @p0 .LBB2_17-.Ltmp9, $4  }
0x87: {  	[tilespmem:v6+s3+$0x0] =	vst.idx.msk $0xffff, v1  }
0x88: {  	[tilespmem:v7+s3+$0x0] =	vst.idx.msk $0xffff, v1  }
0x89: {  	[tilespmem:v8+s3+$0x0] =	vst.idx.msk $0xffff, v1  }
0x8a: {  	[tilespmem:v9+s3+$0x0] =	vst.idx.msk $0xffff, v1  }
0x8b: {  	[tilespmem:s14], [sflag:$0x3] =	stream.strided.gather [hbm4b:s9+s12], $0x2800, s13, s12, $0x38;
	[tilespmem:$0x1D700] =	vst v63  }
0x8c: {  	_ =	swait.ge [sflag:s18], $0x2800  }
0x8d: {  	[sflag:s18] =	ssyncset.done $0x0  }
0x8e: {  	s22 =	simm.s32 $0x18740;
	[sflag:s18] =	ssyncadd.s32 $0xFFFFD800  }
0x8f: {  	v2 =	vld [tilespmem:s22+$0x30]  }
0x90: {  	v3 =	vld [tilespmem:s22+$0xFFFFFFD0]  }
0x91: {  	v4 =	vld [tilespmem:s22+$0xFFFFFFE0]  }
0x92: {  	v5 =	vld [tilespmem:s22+$0xFFFFFFF0]  }
0x93: {  	v6 =	vld [tilespmem:s22+$0x0]  }
0x94: {  	v7 =	vld [tilespmem:s22+$0x10]  }
0x95: {  	v8 =	vld [tilespmem:s22+$0x20]  }
0x96: {  	s21 =	simm.s32 $0x0;
	v9 =	vld [tilespmem:s22+$0xFFFFFFC0];
	s22 =	simm.s32 $0x187C0  }
.LBB2_15:
0x97: {  	s21 =	sadd.s32 $0x80, s21;
	[tilespmem:v2+s3+$0x0] =	vst.idx.msk $0xffff, v1;
	v2 =	vld [tilespmem:s22+$0x30]  }
0x98: {  	p1 =	slt.u32 s21, $0x2780;
	[tilespmem:v3+s3+$0x0] =	vst.idx.msk $0xffff, v1;
	v3 =	vld [tilespmem:s22+$0xFFFFFFD0]  }
0x99: {  	[tilespmem:v4+s3+$0x0] =	vst.idx.msk $0xffff, v1;
	v4 =	vld [tilespmem:s22+$0xFFFFFFE0]  }
.Ltmp10:
0x9a: {  	[tilespmem:v5+s3+$0x0] =	vst.idx.msk $0xffff, v1;
	v5 =	vld [tilespmem:s22+$0xFFFFFFF0];
	(pc) =	sbr.rel @p1 .LBB2_15-.Ltmp10, $4  }
0x9b: {  	[tilespmem:v6+s3+$0x0] =	vst.idx.msk $0xffff, v1;
	v6 =	vld [tilespmem:s22+$0x0]  }
0x9c: {  	[tilespmem:v7+s3+$0x0] =	vst.idx.msk $0xffff, v1;
	v7 =	vld [tilespmem:s22+$0x10]  }
0x9d: {  	[tilespmem:v8+s3+$0x0] =	vst.idx.msk $0xffff, v1;
	v8 =	vld [tilespmem:s22+$0x20]  }
0x9e: {  	[tilespmem:v9+s3+$0x0] =	vst.idx.msk $0xffff, v1;
	v9 =	vld [tilespmem:s22+$0xFFFFFFC0];
	s22 =	sadd.s32 $0x80, s22  }
0x9f: {  	_ =	sdelay $0x3  }
0xa0: {  	[tilespmem:v2+s3+$0x0] =	vst.idx.msk $0xffff, v1  }
0xa1: {  	[tilespmem:v3+s3+$0x0] =	vst.idx.msk $0xffff, v1  }
0xa2: {  	[tilespmem:v4+s3+$0x0] =	vst.idx.msk $0xffff, v1  }
.Ltmp11:
0xa3: {  	[tilespmem:v5+s3+$0x0] =	vst.idx.msk $0xffff, v1;
	(pc) =	sbr.rel .LBB2_17-.Ltmp11, $4  }
0xa4: {  	[tilespmem:v6+s3+$0x0] =	vst.idx.msk $0xffff, v1  }
0xa5: {  	[tilespmem:v7+s3+$0x0] =	vst.idx.msk $0xffff, v1  }
0xa6: {  	[tilespmem:v8+s3+$0x0] =	vst.idx.msk $0xffff, v1  }
0xa7: {  	[tilespmem:v9+s3+$0x0] =	vst.idx.msk $0xffff, v1  }
.LBB2_18:
0xa8: {  	_ =	sfence.sel $0x180000  }
0xa9: {  	[bflag:$0x0] =	sbarrier.arrive $0xFFFF  }
0xaa: {  	p0 =	sne.s32 s0, $0x0;
	_ =	strace $0x90000047  }
0xab: {  	s0 =	sadd.s32 @!p0 $0x100000, s1;
	[bflag:$0x2] =	sbarrier.arrive $0xFFFF  }
0xac: {  	[sflag:s0] =	ssyncadd.tile.s32 @!p0 $0x1;
	_ =	shalt  }
.Lfunc_end2:
_tile_overlayer_lowered:
.L_overlay_start_2:
0xad: {  	(tag) =	ssettag $0x2  }
0xae: {  	s0 =	rddreg [dreg:$0x0];
	s2 =	stileid.u32  }
0xaf: {  	s1 =	rddreg [dreg:$0x1];
	p0 =	sne.s32 s2, $0x0  }
0xb0: {  	s3 =	rddreg [dreg:$0x2];
	[bflag:$0x3] =	sbarrier.arrive $0xFFFF;
	s2 =	simm.s32 @!p0 $0x1C03  }
0xb1: {  	[timem:s3], [sflag:s2] =	dma.local @!p0 [hbm:s0], s1  }
0xb2: {  	s0 =	simm.s32 @!p0 $0x3  }
0xb3: {  	_ =	swait.ge @!p0 [sflag:s0], s1  }
0xb4: {  	s1 =	ssub.s32 @!p0 $0x0, s1;
	[sflag:s0] =	ssyncset.done @!p0 $0x0  }
0xb5: {  	[sflag:s0] =	ssyncadd.s32 @!p0 s1  }
0xb6: {  	[bflag:$0x3] =	sbarrier.arrive $0xFFFF  }
0xb7: {  	_ =	shalt  }

</sc_bundles>
